<compile_context>
chip_gen: v7x
topology: tpu7x:2x2x1
jax: 0.10.2.dev20260603
libtpu: 0.0.44.dev20260713+nightly
codegen_flags: <defaults>
</compile_context>

<pallas_src>
import functools

import jax
import jax.numpy as jnp
from jax import lax
from jax.experimental import pallas as pl
from jax.experimental.pallas import tpu as pltpu
from jax.experimental.pallas import tpu_sc as plsc

_IDX_CHUNK = 128


def _make_sc_gather(batch, seq, emb):
    info = plsc.get_sparse_core_info()
    n_workers = info.num_cores * info.num_subcores
    rows_per_w = batch * seq // n_workers
    n_chunks = rows_per_w // _IDX_CHUNK
    w_per_batch = seq // rows_per_w
    mesh = plsc.VectorSubcoreMesh(core_axis_name="c", subcore_axis_name="s")

    @functools.partial(
        pl.kernel,
        mesh=mesh,
        out_type=jax.ShapeDtypeStruct((batch, seq, emb), jnp.float32),
        scratch_types=[
            pltpu.VMEM((rows_per_w,), jnp.int32),
            pltpu.VMEM((rows_per_w, emb), jnp.float32),
            pltpu.SemaphoreType.DMA,
            pltpu.SemaphoreType.DMA,
        ],
    )
    def gather_rows(table_hbm, idx_hbm, out_hbm, idx_v, rows_v, gsem, wsem):
        wid = lax.axis_index("s") * info.num_cores + lax.axis_index("c")
        b = wid // w_per_batch
        s0 = (wid % w_per_batch) * rows_per_w
        pltpu.sync_copy(idx_hbm.at[b, pl.ds(s0, rows_per_w)], idx_v)
        gathers = [
            pltpu.async_copy(
                table_hbm.at[idx_v.at[pl.ds(j * _IDX_CHUNK, _IDX_CHUNK)]],
                rows_v.at[pl.ds(j * _IDX_CHUNK, _IDX_CHUNK)],
                gsem,
            )
            for j in range(n_chunks)
        ]
        writes = []
        for j in range(n_chunks):
            gathers[j].wait()
            writes.append(
                pltpu.async_copy(
                    rows_v.at[pl.ds(j * _IDX_CHUNK, _IDX_CHUNK)],
                    out_hbm.at[b, pl.ds(s0 + j * _IDX_CHUNK, _IDX_CHUNK)],
                    wsem,
                )
            )
        for w in writes:
            w.wait()

    return gather_rows


def _tc_body(emb_ref, t_ref, wt_ref, b_ref, pos_ref, tok_ref, nw_ref, nb_ref,
             out_ref):
    x = emb_ref[0].astype(jnp.bfloat16)
    s, e = x.shape
    z = jnp.zeros((1, e), jnp.bfloat16)
    left = jnp.concatenate([x[1:], z], axis=0)
    right = jnp.concatenate([z, x[:-1]], axis=0)
    tri = jnp.concatenate([left, x, right], axis=1)
    p = jnp.dot(tri, wt_ref[...], preferred_element_type=jnp.float32)
    t = t_ref[0]
    tok0 = tok_ref[0:1, :]
    tok_emb = tok0 + t * (tok_ref[1:2, :] - tok0)
    res = p + b_ref[...] + pos_ref[...].astype(jnp.float32) + tok_emb
    out_ref[0] = res * nw_ref[...] + nb_ref[...]


def kernel(input_ids, token_type_ids, word_table, lin_w, lin_b, pos_table,
           tok_table, norm_w, norm_b):
    batch, seq = input_ids.shape
    vocab, emb = word_table.shape
    hid = lin_w.shape[0]

    emb3 = _make_sc_gather(batch, seq, emb)(word_table, input_ids)

    t_col = token_type_ids.astype(jnp.float32).reshape(batch, seq, 1)
    w_t = lin_w.T.astype(jnp.bfloat16)
    pos_bf = pos_table.astype(jnp.bfloat16)
    b_row = lin_b.reshape(1, hid)
    nw_row = norm_w.reshape(1, hid)
    nb_row = norm_b.reshape(1, hid)

    out = pl.pallas_call(
        _tc_body,
        grid=(batch,),
        in_specs=[
            pl.BlockSpec((1, seq, emb), lambda b: (b, 0, 0)),
            pl.BlockSpec((1, seq, 1), lambda b: (b, 0, 0)),
            pl.BlockSpec((3 * emb, hid), lambda b: (0, 0)),
            pl.BlockSpec((1, hid), lambda b: (0, 0)),
            pl.BlockSpec((seq, hid), lambda b: (0, 0)),
            pl.BlockSpec(tok_table.shape, lambda b: (0, 0)),
            pl.BlockSpec((1, hid), lambda b: (0, 0)),
            pl.BlockSpec((1, hid), lambda b: (0, 0)),
        ],
        out_specs=pl.BlockSpec((1, seq, hid), lambda b: (b, 0, 0)),
        out_shape=jax.ShapeDtypeStruct((batch, seq, hid), jnp.float32),
        compiler_params=pltpu.CompilerParams(
            dimension_semantics=("parallel",),
        ),
    )(emb3, t_col, w_t, b_row, pos_bf, tok_table, nw_row, nb_row)
    return out

# --- scband reference (transcript-rebuilt; emitter-appended) ---
"""Pipeline reference for scband-mobile-bert-embeddings-54107997995626 (READ-ONLY COPY).

The authoritative reference and input builder live on the scoring server;
editing this copy changes nothing except your own understanding.
"""

import jax, jax.numpy as jnp
import numpy as np

VOCAB = 30522
EMB = 128
HID = 512
MAXPOS = 2048
TYPES = 2
B, S = 4, 2048

def setup_inputs(seed: int = 0) -> dict:
    key = jax.random.key(seed)
    ks = jax.random.split(key, 9)
    input_ids = jax.random.randint(ks[0], (B, S), 0, VOCAB)
    token_type_ids = jax.random.randint(ks[1], (B, S), 0, TYPES)
    word_table = jax.random.normal(ks[2], (VOCAB, EMB), dtype=jnp.float32) * 0.02
    word_table = word_table.at[0].set(0.0)  # padding_idx=0
    lin_w = jax.random.normal(ks[3], (HID, 3 * EMB), dtype=jnp.float32) * 0.02
    lin_b = jnp.zeros((HID,), dtype=jnp.float32)
    pos_table = jax.random.normal(ks[4], (MAXPOS, HID), dtype=jnp.float32) * 0.02
    tok_table = jax.random.normal(ks[5], (TYPES, HID), dtype=jnp.float32) * 0.02
    norm_w = jnp.ones((HID,), dtype=jnp.float32)
    norm_b = jnp.zeros((HID,), dtype=jnp.float32)
    return {"input_ids": input_ids, "token_type_ids": token_type_ids,
            "word_table": word_table, "lin_w": lin_w, "lin_b": lin_b,
            "pos_table": pos_table, "tok_table": tok_table,
            "norm_w": norm_w, "norm_b": norm_b}

def reference(input_ids, token_type_ids, word_table, lin_w, lin_b, pos_table, tok_table, norm_w, norm_b):
    seq_len = input_ids.shape[1]
    inputs_embeds = jnp.take(word_table, input_ids, axis=0)  # [B, S, EMB]
    # trigram input: concat(shift-left, center, shift-right) along feature dim
    left = jnp.pad(inputs_embeds[:, 1:], ((0, 0), (0, 1), (0, 0)), constant_values=0.0)
    right = jnp.pad(inputs_embeds[:, :-1], ((0, 0), (1, 0), (0, 0)), constant_values=0.0)
    tri = jnp.concatenate([left, inputs_embeds, right], axis=2)  # [B, S, 3*EMB]
    projected = jnp.einsum('bsi,hi->bsh', tri, lin_w) + lin_b  # Linear(3*EMB -> HID)
    position_ids = jnp.arange(seq_len)[None, :]
    position_embeddings = jnp.take(pos_table, position_ids, axis=0)  # [1, S, HID]
    token_type_embeddings = jnp.take(tok_table, token_type_ids, axis=0)  # [B, S, HID]
    embeddings = projected + position_embeddings + token_type_embeddings
    # NoNorm: elementwise affine
    embeddings = embeddings * norm_w + norm_b
    # dropout p=0.0 (eval): identity
    return embeddings

if __name__ == "__main__":
    import jax
    _d = setup_inputs()
    print(jax.jit(kernel)(*tuple(_d.values())))

</pallas_src>

<mosaic_0001>
#map = affine_map<(d0, d1) -> (0, 0)>
#map1 = affine_map<(d0, d1) -> (0, 0, 0)>
module attributes {stable_mosaic.version = 14 : i64} {
  func.func @gather_rows(%arg0: i32, %arg1: i32, %arg2: memref<30522x128xf32, #tpu.memory_space<hbm>>, %arg3: memref<4x2048xi32, #tpu.memory_space<hbm>>, %arg4: memref<4x2048x128xf32, #tpu.memory_space<hbm>>, %arg5: memref<256xi32, #tpu.memory_space<vmem>>, %arg6: memref<256x128xf32, #tpu.memory_space<vmem>>, %arg7: memref<!tpu.dma_semaphore, #tpu.memory_space<semaphore_mem>>, %arg8: memref<!tpu.dma_semaphore, #tpu.memory_space<semaphore_mem>>) attributes {dimension_semantics = [#tpu.dimension_semantics<core_parallel>, #tpu.dimension_semantics<subcore_parallel>], iteration_bounds = array<i64: 2, 16>, scalar_prefetch = 0 : i64, scratch_operands = 4 : i64, tpu.core_type = #tpu.core_type<sc_vector_subcore>, window_params = [{transform_indices = #map}, {transform_indices = #map}, {transform_indices = #map1}]} {
    %mul3A = arith.constant 2 : i32
    %mul3A_0 = arith.muli %arg1, %mul3A : i32
    %add3A = arith.addi %mul3A_0, %arg0 : i32
    %jit3A = arith.constant 8 : i32
    %div3A = arith.divsi %add3A, %jit3A : i32
    %sign3A = arith.constant 0 : i32
    %sign3A_1 = arith.cmpi sgt, %add3A, %sign3A : i32
    %sign3A_2 = arith.extui %sign3A_1 : i1 to i32
    %sign3A_3 = arith.constant 0 : i32
    %sign3A_4 = arith.cmpi slt, %add3A, %sign3A_3 : i32
    %sign3A_5 = arith.extui %sign3A_4 : i1 to i32
    %sign3A_6 = arith.subi %sign3A_2, %sign3A_5 : i32
    %sign3A_7 = arith.constant 0 : i32
    %sign3A_8 = arith.cmpi sgt, %jit3A, %sign3A_7 : i32
    %sign3A_9 = arith.extui %sign3A_8 : i1 to i32
    %sign3A_10 = arith.constant 0 : i32
    %sign3A_11 = arith.cmpi slt, %jit3A, %sign3A_10 : i32
    %sign3A_12 = arith.extui %sign3A_11 : i1 to i32
    %sign3A_13 = arith.subi %sign3A_9, %sign3A_12 : i32
    %ne3A = arith.cmpi ne, %sign3A_6, %sign3A_13 : i32
    %rem3A = arith.remsi %add3A, %jit3A : i32
    %ne3A_14 = arith.constant 0 : i32
    %ne3A_15 = arith.cmpi ne, %rem3A, %ne3A_14 : i32
    %and3A = arith.andi %ne3A, %ne3A_15 : i1
    %sub3A = arith.constant 1 : i32
    %sub3A_16 = arith.subi %div3A, %sub3A : i32
    %select_n3A = arith.select %and3A, %sub3A_16, %div3A : i32
    %jit3A_17 = arith.constant 8 : i32
    %eq3A = arith.constant 0 : i32
    %eq3A_18 = arith.cmpi eq, %jit3A_17, %eq3A : i32
    %jit3A_19 = arith.constant 1 : i32
    %select_n3A_20 = arith.select %eq3A_18, %jit3A_19, %jit3A_17 : i32
    %rem3A_21 = arith.remsi %add3A, %select_n3A_20 : i32
    %ne3A_22 = arith.constant 0 : i32
    %ne3A_23 = arith.cmpi ne, %rem3A_21, %ne3A_22 : i32
    %lt3A = arith.constant 0 : i32
    %lt3A_24 = arith.cmpi slt, %rem3A_21, %lt3A : i32
    %lt3A_25 = arith.constant 0 : i32
    %lt3A_26 = arith.cmpi slt, %select_n3A_20, %lt3A_25 : i32
    %ne3A_27 = arith.xori %lt3A_24, %lt3A_26 : i1
    %and3A_28 = arith.andi %ne3A_27, %ne3A_23 : i1
    %add3A_29 = arith.addi %rem3A_21, %select_n3A_20 : i32
    %select_n3A_30 = arith.select %and3A_28, %add3A_29, %rem3A_21 : i32
    %mul3A_31 = arith.constant 256 : i32
    %mul3A_32 = arith.muli %select_n3A_30, %mul3A_31 : i32
    "tpu.region"() ({
      %run_scoped3A = tpu.sem_alloc : memref<!tpu.dma_semaphore, #tpu.memory_space<semaphore_mem>>
      %dma_start3A_115 = tpu.memref_slice %arg3[%select_n3A, %mul3A_32] : memref<4x2048xi32, #tpu.memory_space<hbm>> -> memref<1x256xi32, #tpu.memory_space<hbm>>
      %dma_start3A_116 = tpu.memref_squeeze %dma_start3A_115 : memref<1x256xi32, #tpu.memory_space<hbm>> -> memref<256xi32, #tpu.memory_space<hbm>>
      %dma_start3A_117 = tpu.memref_slice %arg3[%select_n3A, %mul3A_32] : memref<4x2048xi32, #tpu.memory_space<hbm>> -> memref<1x256xi32, #tpu.memory_space<hbm>>
      %dma_start3A_118 = tpu.memref_squeeze %dma_start3A_117 : memref<1x256xi32, #tpu.memory_space<hbm>> -> memref<256xi32, #tpu.memory_space<hbm>>
      tpu.enqueue_dma source(%dma_start3A_118 : memref<256xi32, #tpu.memory_space<hbm>>) target(%arg5 : memref<256xi32, #tpu.memory_space<vmem>>) target_semaphore(%run_scoped3A : memref<!tpu.dma_semaphore, #tpu.memory_space<semaphore_mem>>)
      %dma_wait3A_119 = tpu.memref_slice %arg3[%select_n3A, %mul3A_32] : memref<4x2048xi32, #tpu.memory_space<hbm>> -> memref<1x256xi32, #tpu.memory_space<hbm>>
      %dma_wait3A_120 = tpu.memref_squeeze %dma_wait3A_119 : memref<1x256xi32, #tpu.memory_space<hbm>> -> memref<256xi32, #tpu.memory_space<hbm>>
      %dma_wait3A_121 = tpu.memref_slice %arg3[%select_n3A, %mul3A_32] : memref<4x2048xi32, #tpu.memory_space<hbm>> -> memref<1x256xi32, #tpu.memory_space<hbm>>
      %dma_wait3A_122 = tpu.memref_squeeze %dma_wait3A_121 : memref<1x256xi32, #tpu.memory_space<hbm>> -> memref<256xi32, #tpu.memory_space<hbm>>
      tpu.wait_dma2 semaphore(%run_scoped3A : memref<!tpu.dma_semaphore, #tpu.memory_space<semaphore_mem>>) src(%dma_wait3A_122 : memref<256xi32, #tpu.memory_space<hbm>>) dst(%arg5 : memref<256xi32, #tpu.memory_space<vmem>>)
      tpu.yield
    }) : () -> ()
    %dma_start3A = arith.constant 0 : i32
    %dma_start3A_33 = arith.constant 0 : i32
    %dma_start3A_34 = tpu.memref_slice %arg6[%dma_start3A, %dma_start3A_33] : memref<256x128xf32, #tpu.memory_space<vmem>> -> memref<128x128xf32, #tpu.memory_space<vmem>>
    %dma_start3A_35 = arith.constant 0 : i32
    %dma_start3A_36 = tpu.memref_slice %arg5[%dma_start3A_35] : memref<256xi32, #tpu.memory_space<vmem>> -> memref<128xi32, #tpu.memory_space<vmem>>
    %dma_start3A_37 = arith.constant 0 : i32
    %dma_start3A_38 = arith.constant 0 : i32
    %dma_start3A_39 = tpu.memref_slice %arg2[%dma_start3A_37, %dma_start3A_38] : memref<30522x128xf32, #tpu.memory_space<hbm>> -> memref<30522x128xf32, #tpu.memory_space<hbm>>
    tpu.enqueue_indirect_dma source(%dma_start3A_39 : memref<30522x128xf32, #tpu.memory_space<hbm>>) target(%dma_start3A_34 : memref<128x128xf32, #tpu.memory_space<vmem>>) offsets(%dma_start3A_36 : memref<128xi32, #tpu.memory_space<vmem>>) semaphore(%arg7 : memref<!tpu.dma_semaphore, #tpu.memory_space<semaphore_mem>>)
    %dma_start3A_40 = arith.constant 128 : i32
    %dma_start3A_41 = arith.constant 0 : i32
    %dma_start3A_42 = tpu.memref_slice %arg6[%dma_start3A_40, %dma_start3A_41] : memref<256x128xf32, #tpu.memory_space<vmem>> -> memref<128x128xf32, #tpu.memory_space<vmem>>
    %dma_start3A_43 = arith.constant 128 : i32
    %dma_start3A_44 = tpu.memref_slice %arg5[%dma_start3A_43] : memref<256xi32, #tpu.memory_space<vmem>> -> memref<128xi32, #tpu.memory_space<vmem>>
    %dma_start3A_45 = arith.constant 0 : i32
    %dma_start3A_46 = arith.constant 0 : i32
    %dma_start3A_47 = tpu.memref_slice %arg2[%dma_start3A_45, %dma_start3A_46] : memref<30522x128xf32, #tpu.memory_space<hbm>> -> memref<30522x128xf32, #tpu.memory_space<hbm>>
    tpu.enqueue_indirect_dma source(%dma_start3A_47 : memref<30522x128xf32, #tpu.memory_space<hbm>>) target(%dma_start3A_42 : memref<128x128xf32, #tpu.memory_space<vmem>>) offsets(%dma_start3A_44 : memref<128xi32, #tpu.memory_space<vmem>>) semaphore(%arg7 : memref<!tpu.dma_semaphore, #tpu.memory_space<semaphore_mem>>)
    %dma_wait3A = arith.constant 0 : i32
    %dma_wait3A_48 = arith.constant 0 : i32
    %dma_wait3A_49 = tpu.memref_slice %arg6[%dma_wait3A, %dma_wait3A_48] : memref<256x128xf32, #tpu.memory_space<vmem>> -> memref<128x128xf32, #tpu.memory_space<vmem>>
    %dma_wait3A_50 = arith.constant 0 : i32
    %dma_wait3A_51 = tpu.memref_slice %arg5[%dma_wait3A_50] : memref<256xi32, #tpu.memory_space<vmem>> -> memref<128xi32, #tpu.memory_space<vmem>>
    %dma_wait3A_52 = arith.constant 0 : i32
    %dma_wait3A_53 = arith.constant 0 : i32
    %dma_wait3A_54 = tpu.memref_slice %arg2[%dma_wait3A_52, %dma_wait3A_53] : memref<30522x128xf32, #tpu.memory_space<hbm>> -> memref<30522x128xf32, #tpu.memory_space<hbm>>
    tpu.wait_indirect_dma semaphore(%arg7 : memref<!tpu.dma_semaphore, #tpu.memory_space<semaphore_mem>>) src(%dma_wait3A_54 : memref<30522x128xf32, #tpu.memory_space<hbm>>) dst(%dma_wait3A_49 : memref<128x128xf32, #tpu.memory_space<vmem>>)
    %add3A_55 = arith.constant 0 : i32
    %add3A_56 = arith.addi %mul3A_32, %add3A_55 : i32
    %dma_start3A_57 = arith.constant 0 : i32
    %dma_start3A_58 = arith.constant 0 : i32
    %dma_start3A_59 = tpu.memref_slice %arg6[%dma_start3A_57, %dma_start3A_58] : memref<256x128xf32, #tpu.memory_space<vmem>> -> memref<128x128xf32, #tpu.memory_space<vmem>>
    %dma_start3A_60 = arith.constant 0 : i32
    %dma_start3A_61 = tpu.memref_slice %arg4[%select_n3A, %add3A_56, %dma_start3A_60] : memref<4x2048x128xf32, #tpu.memory_space<hbm>> -> memref<1x128x128xf32, #tpu.memory_space<hbm>>
    %dma_start3A_62 = tpu.memref_squeeze %dma_start3A_61 : memref<1x128x128xf32, #tpu.memory_space<hbm>> -> memref<128x128xf32, #tpu.memory_space<hbm>>
    %dma_start3A_63 = arith.constant 0 : i32
    %dma_start3A_64 = tpu.memref_slice %arg4[%select_n3A, %add3A_56, %dma_start3A_63] : memref<4x2048x128xf32, #tpu.memory_space<hbm>> -> memref<1x128x128xf32, #tpu.memory_space<hbm>>
    %dma_start3A_65 = tpu.memref_squeeze %dma_start3A_64 : memref<1x128x128xf32, #tpu.memory_space<hbm>> -> memref<128x128xf32, #tpu.memory_space<hbm>>
    %dma_start3A_66 = arith.constant 0 : i32
    %dma_start3A_67 = arith.constant 0 : i32
    %dma_start3A_68 = tpu.memref_slice %arg6[%dma_start3A_66, %dma_start3A_67] : memref<256x128xf32, #tpu.memory_space<vmem>> -> memref<128x128xf32, #tpu.memory_space<vmem>>
    tpu.enqueue_dma source(%dma_start3A_68 : memref<128x128xf32, #tpu.memory_space<vmem>>) target(%dma_start3A_65 : memref<128x128xf32, #tpu.memory_space<hbm>>) target_semaphore(%arg8 : memref<!tpu.dma_semaphore, #tpu.memory_space<semaphore_mem>>)
    %dma_wait3A_69 = arith.constant 128 : i32
    %dma_wait3A_70 = arith.constant 0 : i32
    %dma_wait3A_71 = tpu.memref_slice %arg6[%dma_wait3A_69, %dma_wait3A_70] : memref<256x128xf32, #tpu.memory_space<vmem>> -> memref<128x128xf32, #tpu.memory_space<vmem>>
    %dma_wait3A_72 = arith.constant 128 : i32
    %dma_wait3A_73 = tpu.memref_slice %arg5[%dma_wait3A_72] : memref<256xi32, #tpu.memory_space<vmem>> -> memref<128xi32, #tpu.memory_space<vmem>>
    %dma_wait3A_74 = arith.constant 0 : i32
    %dma_wait3A_75 = arith.constant 0 : i32
    %dma_wait3A_76 = tpu.memref_slice %arg2[%dma_wait3A_74, %dma_wait3A_75] : memref<30522x128xf32, #tpu.memory_space<hbm>> -> memref<30522x128xf32, #tpu.memory_space<hbm>>
    tpu.wait_indirect_dma semaphore(%arg7 : memref<!tpu.dma_semaphore, #tpu.memory_space<semaphore_mem>>) src(%dma_wait3A_76 : memref<30522x128xf32, #tpu.memory_space<hbm>>) dst(%dma_wait3A_71 : memref<128x128xf32, #tpu.memory_space<vmem>>)
    %add3A_77 = arith.constant 128 : i32
    %add3A_78 = arith.addi %mul3A_32, %add3A_77 : i32
    %dma_start3A_79 = arith.constant 128 : i32
    %dma_start3A_80 = arith.constant 0 : i32
    %dma_start3A_81 = tpu.memref_slice %arg6[%dma_start3A_79, %dma_start3A_80] : memref<256x128xf32, #tpu.memory_space<vmem>> -> memref<128x128xf32, #tpu.memory_space<vmem>>
    %dma_start3A_82 = arith.constant 0 : i32
    %dma_start3A_83 = tpu.memref_slice %arg4[%select_n3A, %add3A_78, %dma_start3A_82] : memref<4x2048x128xf32, #tpu.memory_space<hbm>> -> memref<1x128x128xf32, #tpu.memory_space<hbm>>
    %dma_start3A_84 = tpu.memref_squeeze %dma_start3A_83 : memref<1x128x128xf32, #tpu.memory_space<hbm>> -> memref<128x128xf32, #tpu.memory_space<hbm>>
    %dma_start3A_85 = arith.constant 0 : i32
    %dma_start3A_86 = tpu.memref_slice %arg4[%select_n3A, %add3A_78, %dma_start3A_85] : memref<4x2048x128xf32, #tpu.memory_space<hbm>> -> memref<1x128x128xf32, #tpu.memory_space<hbm>>
    %dma_start3A_87 = tpu.memref_squeeze %dma_start3A_86 : memref<1x128x128xf32, #tpu.memory_space<hbm>> -> memref<128x128xf32, #tpu.memory_space<hbm>>
    %dma_start3A_88 = arith.constant 128 : i32
    %dma_start3A_89 = arith.constant 0 : i32
    %dma_start3A_90 = tpu.memref_slice %arg6[%dma_start3A_88, %dma_start3A_89] : memref<256x128xf32, #tpu.memory_space<vmem>> -> memref<128x128xf32, #tpu.memory_space<vmem>>
    tpu.enqueue_dma source(%dma_start3A_90 : memref<128x128xf32, #tpu.memory_space<vmem>>) target(%dma_start3A_87 : memref<128x128xf32, #tpu.memory_space<hbm>>) target_semaphore(%arg8 : memref<!tpu.dma_semaphore, #tpu.memory_space<semaphore_mem>>)
    %dma_wait3A_91 = arith.constant 0 : i32
    %dma_wait3A_92 = arith.constant 0 : i32
    %dma_wait3A_93 = tpu.memref_slice %arg6[%dma_wait3A_91, %dma_wait3A_92] : memref<256x128xf32, #tpu.memory_space<vmem>> -> memref<128x128xf32, #tpu.memory_space<vmem>>
    %dma_wait3A_94 = arith.constant 0 : i32
    %dma_wait3A_95 = tpu.memref_slice %arg4[%select_n3A, %add3A_56, %dma_wait3A_94] : memref<4x2048x128xf32, #tpu.memory_space<hbm>> -> memref<1x128x128xf32, #tpu.memory_space<hbm>>
    %dma_wait3A_96 = tpu.memref_squeeze %dma_wait3A_95 : memref<1x128x128xf32, #tpu.memory_space<hbm>> -> memref<128x128xf32, #tpu.memory_space<hbm>>
    %dma_wait3A_97 = arith.constant 0 : i32
    %dma_wait3A_98 = tpu.memref_slice %arg4[%select_n3A, %add3A_56, %dma_wait3A_97] : memref<4x2048x128xf32, #tpu.memory_space<hbm>> -> memref<1x128x128xf32, #tpu.memory_space<hbm>>
    %dma_wait3A_99 = tpu.memref_squeeze %dma_wait3A_98 : memref<1x128x128xf32, #tpu.memory_space<hbm>> -> memref<128x128xf32, #tpu.memory_space<hbm>>
    %dma_wait3A_100 = arith.constant 0 : i32
    %dma_wait3A_101 = arith.constant 0 : i32
    %dma_wait3A_102 = tpu.memref_slice %arg6[%dma_wait3A_100, %dma_wait3A_101] : memref<256x128xf32, #tpu.memory_space<vmem>> -> memref<128x128xf32, #tpu.memory_space<vmem>>
    tpu.wait_dma2 semaphore(%arg8 : memref<!tpu.dma_semaphore, #tpu.memory_space<semaphore_mem>>) src(%dma_wait3A_102 : memref<128x128xf32, #tpu.memory_space<vmem>>) dst(%dma_wait3A_99 : memref<128x128xf32, #tpu.memory_space<hbm>>)
    %dma_wait3A_103 = arith.constant 128 : i32
    %dma_wait3A_104 = arith.constant 0 : i32
    %dma_wait3A_105 = tpu.memref_slice %arg6[%dma_wait3A_103, %dma_wait3A_104] : memref<256x128xf32, #tpu.memory_space<vmem>> -> memref<128x128xf32, #tpu.memory_space<vmem>>
    %dma_wait3A_106 = arith.constant 0 : i32
    %dma_wait3A_107 = tpu.memref_slice %arg4[%select_n3A, %add3A_78, %dma_wait3A_106] : memref<4x2048x128xf32, #tpu.memory_space<hbm>> -> memref<1x128x128xf32, #tpu.memory_space<hbm>>
    %dma_wait3A_108 = tpu.memref_squeeze %dma_wait3A_107 : memref<1x128x128xf32, #tpu.memory_space<hbm>> -> memref<128x128xf32, #tpu.memory_space<hbm>>
    %dma_wait3A_109 = arith.constant 0 : i32
    %dma_wait3A_110 = tpu.memref_slice %arg4[%select_n3A, %add3A_78, %dma_wait3A_109] : memref<4x2048x128xf32, #tpu.memory_space<hbm>> -> memref<1x128x128xf32, #tpu.memory_space<hbm>>
    %dma_wait3A_111 = tpu.memref_squeeze %dma_wait3A_110 : memref<1x128x128xf32, #tpu.memory_space<hbm>> -> memref<128x128xf32, #tpu.memory_space<hbm>>
    %dma_wait3A_112 = arith.constant 128 : i32
    %dma_wait3A_113 = arith.constant 0 : i32
    %dma_wait3A_114 = tpu.memref_slice %arg6[%dma_wait3A_112, %dma_wait3A_113] : memref<256x128xf32, #tpu.memory_space<vmem>> -> memref<128x128xf32, #tpu.memory_space<vmem>>
    tpu.wait_dma2 semaphore(%arg8 : memref<!tpu.dma_semaphore, #tpu.memory_space<semaphore_mem>>) src(%dma_wait3A_114 : memref<128x128xf32, #tpu.memory_space<vmem>>) dst(%dma_wait3A_111 : memref<128x128xf32, #tpu.memory_space<hbm>>)
    return
  }
}

module attributes {stable_mosaic.version = 14 : i64} {
  func.func @_tc_body(%arg0: i32, %arg1: memref<1x2048x128xf32, #tpu.memory_space<vmem>>, %arg2: memref<1x2048x1xf32, #tpu.memory_space<vmem>>, %arg3: memref<384x512xbf16, #tpu.memory_space<vmem>>, %arg4: memref<1x512xf32, #tpu.memory_space<vmem>>, %arg5: memref<2048x512xbf16, #tpu.memory_space<vmem>>, %arg6: memref<2x512xf32, #tpu.memory_space<vmem>>, %arg7: memref<1x512xf32, #tpu.memory_space<vmem>>, %arg8: memref<1x512xf32, #tpu.memory_space<vmem>>, %arg9: memref<1x2048x512xf32, #tpu.memory_space<vmem>>) attributes {dimension_semantics = [#tpu.dimension_semantics<parallel>], iteration_bounds = array<i64: 4>, scalar_prefetch = 0 : i64, scratch_operands = 0 : i64, tpu.core_type = #tpu.core_type<tc>, window_params = [{transform_indices = @transform_0, window_bounds = array<i64: 1, 2048, 128>}, {transform_indices = @transform_1, window_bounds = array<i64: 1, 2048, 1>}, {pipeline_mode = #tpu.pipeline_mode<synchronous>, transform_indices = @transform_2, window_bounds = array<i64: 384, 512>}, {pipeline_mode = #tpu.pipeline_mode<synchronous>, transform_indices = @transform_3, window_bounds = array<i64: 1, 512>}, {pipeline_mode = #tpu.pipeline_mode<synchronous>, transform_indices = @transform_4, window_bounds = array<i64: 2048, 512>}, {pipeline_mode = #tpu.pipeline_mode<synchronous>, transform_indices = @transform_5, window_bounds = array<i64: 2, 512>}, {pipeline_mode = #tpu.pipeline_mode<synchronous>, transform_indices = @transform_6, window_bounds = array<i64: 1, 512>}, {pipeline_mode = #tpu.pipeline_mode<synchronous>, transform_indices = @transform_7, window_bounds = array<i64: 1, 512>}, {transform_indices = @transform_8, window_bounds = array<i64: 1, 2048, 512>}]} {
    %get3A = arith.constant 0 : index
    %get3A_0 = arith.constant 0 : index
    %get3A_1 = arith.constant 0 : index
    %get3A_2 = vector.load %arg1[%get3A, %get3A_0, %get3A_1] : memref<1x2048x128xf32, #tpu.memory_space<vmem>>, vector<1x2048x128xf32>
    %get3A_3 = vector.shape_cast %get3A_2 : vector<1x2048x128xf32> to vector<2048x128xf32>
    %convert_element_type3A = arith.truncf %get3A_3 : vector<2048x128xf32> to vector<2048x128xbf16>
    %broadcast_in_dim3A = arith.constant 0.000000e+00 : bf16
    %broadcast_in_dim3A_4 = vector.broadcast %broadcast_in_dim3A : bf16 to vector<1x128xbf16>
    %slice3A = vector.extract_strided_slice %convert_element_type3A {offsets = [1, 0], sizes = [2047, 128], strides = [1, 1]} : vector<2048x128xbf16> to vector<2047x128xbf16>
    %concatenate3A = tpu.concatenate %slice3A, %broadcast_in_dim3A_4 in 0 : vector<2047x128xbf16>, vector<1x128xbf16> -> vector<2048x128xbf16>
    %slice3A_5 = vector.extract_strided_slice %convert_element_type3A {offsets = [0, 0], sizes = [2047, 128], strides = [1, 1]} : vector<2048x128xbf16> to vector<2047x128xbf16>
    %concatenate3A_6 = tpu.concatenate %broadcast_in_dim3A_4, %slice3A_5 in 0 : vector<1x128xbf16>, vector<2047x128xbf16> -> vector<2048x128xbf16>
    %concatenate3A_7 = tpu.concatenate %concatenate3A, %convert_element_type3A, %concatenate3A_6 in 1 : vector<2048x128xbf16>, vector<2048x128xbf16>, vector<2048x128xbf16> -> vector<2048x384xbf16>
    %get3A_8 = arith.constant 0 : index
    %get3A_9 = arith.constant 0 : index
    %get3A_10 = vector.load %arg3[%get3A_8, %get3A_9] : memref<384x512xbf16, #tpu.memory_space<vmem>>, vector<384x512xbf16>
    %dot_general3A = arith.constant dense<0.000000e+00> : vector<2048x512xf32>
    %dot_general3A_11 = tpu.matmul %concatenate3A_7, %get3A_10, %dot_general3A {dimension_numbers = #tpu.dot_dimension_numbers<[1], [0], [0], [1], [0, 0, 1, 1], [], []>, transpose_lhs_hint = false} : vector<2048x384xbf16>, vector<384x512xbf16>, vector<2048x512xf32> -> vector<2048x512xf32>
    %get3A_12 = arith.constant 0 : index
    %get3A_13 = arith.constant 0 : index
    %get3A_14 = arith.constant 0 : index
    %get3A_15 = vector.load %arg2[%get3A_12, %get3A_13, %get3A_14] : memref<1x2048x1xf32, #tpu.memory_space<vmem>>, vector<1x2048x1xf32>
    %get3A_16 = vector.shape_cast %get3A_15 : vector<1x2048x1xf32> to vector<2048x1xf32>
    %get3A_17 = arith.constant 0 : index
    %get3A_18 = arith.constant 0 : index
    %get3A_19 = vector.load %arg6[%get3A_17, %get3A_18] : memref<2x512xf32, #tpu.memory_space<vmem>>, vector<1x512xf32>
    %get3A_20 = arith.constant 1 : index
    %get3A_21 = arith.constant 0 : index
    %get3A_22 = vector.load %arg6[%get3A_20, %get3A_21] : memref<2x512xf32, #tpu.memory_space<vmem>>, vector<1x512xf32>
    %sub3A = arith.subf %get3A_22, %get3A_19 : vector<1x512xf32>
    %mul3A = vector.broadcast %get3A_16 : vector<2048x1xf32> to vector<2048x512xf32>
    %mul3A_23 = vector.broadcast %sub3A : vector<1x512xf32> to vector<2048x512xf32>
    %mul3A_24 = arith.mulf %mul3A, %mul3A_23 : vector<2048x512xf32>
    %add3A = vector.broadcast %get3A_19 : vector<1x512xf32> to vector<2048x512xf32>
    %add3A_25 = arith.addf %add3A, %mul3A_24 : vector<2048x512xf32>
    %get3A_26 = arith.constant 0 : index
    %get3A_27 = arith.constant 0 : index
    %get3A_28 = vector.load %arg4[%get3A_26, %get3A_27] : memref<1x512xf32, #tpu.memory_space<vmem>>, vector<1x512xf32>
    %add3A_29 = vector.broadcast %get3A_28 : vector<1x512xf32> to vector<2048x512xf32>
    %add3A_30 = arith.addf %dot_general3A_11, %add3A_29 : vector<2048x512xf32>
    %get3A_31 = arith.constant 0 : index
    %get3A_32 = arith.constant 0 : index
    %get3A_33 = vector.load %arg5[%get3A_31, %get3A_32] : memref<2048x512xbf16, #tpu.memory_space<vmem>>, vector<2048x512xbf16>
    %convert_element_type3A_34 = arith.extf %get3A_33 : vector<2048x512xbf16> to vector<2048x512xf32>
    %add3A_35 = arith.addf %add3A_30, %convert_element_type3A_34 : vector<2048x512xf32>
    %add3A_36 = arith.addf %add3A_35, %add3A_25 : vector<2048x512xf32>
    %get3A_37 = arith.constant 0 : index
    %get3A_38 = arith.constant 0 : index
    %get3A_39 = vector.load %arg7[%get3A_37, %get3A_38] : memref<1x512xf32, #tpu.memory_space<vmem>>, vector<1x512xf32>
    %mul3A_40 = vector.broadcast %get3A_39 : vector<1x512xf32> to vector<2048x512xf32>
    %mul3A_41 = arith.mulf %add3A_36, %mul3A_40 : vector<2048x512xf32>
    %get3A_42 = arith.constant 0 : index
    %get3A_43 = arith.constant 0 : index
    %get3A_44 = vector.load %arg8[%get3A_42, %get3A_43] : memref<1x512xf32, #tpu.memory_space<vmem>>, vector<1x512xf32>
    %add3A_45 = vector.broadcast %get3A_44 : vector<1x512xf32> to vector<2048x512xf32>
    %add3A_46 = arith.addf %mul3A_41, %add3A_45 : vector<2048x512xf32>
    %swap3A = arith.constant 0 : index
    %swap3A_47 = arith.constant 0 : index
    %swap3A_48 = arith.constant 0 : index
    %swap3A_49 = vector.load %arg9[%swap3A, %swap3A_47, %swap3A_48] : memref<1x2048x512xf32, #tpu.memory_space<vmem>>, vector<1x2048x512xf32>
    %swap3A_50 = vector.shape_cast %swap3A_49 : vector<1x2048x512xf32> to vector<2048x512xf32>
    %swap3A_51 = vector.shape_cast %add3A_46 : vector<2048x512xf32> to vector<1x2048x512xf32>
    tpu.vector_store %arg9[%swap3A, %swap3A_47, %swap3A_48], %swap3A_51 {strides = array<i32>} : memref<1x2048x512xf32, #tpu.memory_space<vmem>>, vector<1x2048x512xf32>,
    return
  }
  func.func @transform_0(%arg0: i32) -> (i32, i32, i32) {
    %c0_i32 = arith.constant 0 : i32
    %c0_i32_0 = arith.constant 0 : i32
    %c0_i32_1 = arith.constant 0 : i32
    return %arg0, %c0_i32, %c0_i32_0 : i32, i32, i32
  }
  func.func @transform_1(%arg0: i32) -> (i32, i32, i32) {
    %c0_i32 = arith.constant 0 : i32
    %c0_i32_0 = arith.constant 0 : i32
    %c0_i32_1 = arith.constant 0 : i32
    return %arg0, %c0_i32, %c0_i32_0 : i32, i32, i32
  }
  func.func @transform_2(%arg0: i32) -> (i32, i32) {
    %c0_i32 = arith.constant 0 : i32
    %c0_i32_0 = arith.constant 0 : i32
    %c0_i32_1 = arith.constant 0 : i32
    return %c0_i32, %c0_i32_0 : i32, i32
  }
  func.func @transform_3(%arg0: i32) -> (i32, i32) {
    %c0_i32 = arith.constant 0 : i32
    %c0_i32_0 = arith.constant 0 : i32
    %c0_i32_1 = arith.constant 0 : i32
    return %c0_i32, %c0_i32_0 : i32, i32
  }
  func.func @transform_4(%arg0: i32) -> (i32, i32) {
    %c0_i32 = arith.constant 0 : i32
    %c0_i32_0 = arith.constant 0 : i32
    %c0_i32_1 = arith.constant 0 : i32
    return %c0_i32, %c0_i32_0 : i32, i32
  }
  func.func @transform_5(%arg0: i32) -> (i32, i32) {
    %c0_i32 = arith.constant 0 : i32
    %c0_i32_0 = arith.constant 0 : i32
    %c0_i32_1 = arith.constant 0 : i32
    return %c0_i32, %c0_i32_0 : i32, i32
  }
  func.func @transform_6(%arg0: i32) -> (i32, i32) {
    %c0_i32 = arith.constant 0 : i32
    %c0_i32_0 = arith.constant 0 : i32
    %c0_i32_1 = arith.constant 0 : i32
    return %c0_i32, %c0_i32_0 : i32, i32
  }
  func.func @transform_7(%arg0: i32) -> (i32, i32) {
    %c0_i32 = arith.constant 0 : i32
    %c0_i32_0 = arith.constant 0 : i32
    %c0_i32_1 = arith.constant 0 : i32
    return %c0_i32, %c0_i32_0 : i32, i32
  }
  func.func @transform_8(%arg0: i32) -> (i32, i32, i32) {
    %c0_i32 = arith.constant 0 : i32
    %c0_i32_0 = arith.constant 0 : i32
    %c0_i32_1 = arith.constant 0 : i32
    return %arg0, %c0_i32, %c0_i32_0 : i32, i32, i32
  }
}

</mosaic_0001>

<sc_bundles>
// kernel: kernel.4.cloned.1.call-start
scs
__scs_entry_jumppad:
0x0: {  	(pc) =	sbr.rel $0x88, $3  }
0x1: {  	(tag) =	ssettag $0x0;
	lr =	simm.s32 $0x1  }
0x2: {  	[smem:$0x3F98] =	sst lr;
	_ =	strace $0xD0000000  }
0x3: {  	_ = 	snop  }
0x4: {  	_ = 	snop  }
0x5: {  	_ = 	snop  }
0x6: {  	_ = 	snop  }
0x7: {  	_ = 	snop  }
__scs_overlays_trampoline_lowered:
0x8: {  	[smem:$0x3FA7] =	sst s0  }
0x9: {  	[smem:$0x3FA8] =	sst s1  }
0xa: {  	[smem:$0x3FA9] =	sst s2  }
0xb: {  	[smem:$0x3FAA] =	sst s3  }
0xc: {  	[smem:$0x3FAB] =	sst s4  }
0xd: {  	[smem:$0x3FAC] =	sst s5  }
0xe: {  	[smem:$0x3FAD] =	sst s6  }
0xf: {  	[smem:$0x3FAE] =	sst s7  }
0x10: {  	[smem:$0x3FAF] =	sst s8  }
0x11: {  	[smem:$0x3FB0] =	sst s9;
	s0 =	simm.s32 @!p0 $0x0  }
0x12: {  	s1 =	sld [smem:$0x3F96];
	s0 =	simm.s32 @p0 $0x1  }
0x13: {  	[smem:$0x3FB1] =	sst s0;
	s0 =	simm.s32 @!p1 $0x0  }
0x14: {  	s2 =	sld [smem:$0x3F95];
	s0 =	simm.s32 @p1 $0x1  }
0x15: {  	[smem:$0x3FB2] =	sst s0;
	s0 =	simm.s32 @!p2 $0x0  }
0x16: {  	s3 =	sld [smem:$0x3FDB];
	s0 =	simm.s32 @p2 $0x1  }
0x17: {  	s4 =	simm.s32 $0x1BF5;
	[smem:$0x3FB4] =	sst s0  }
0x18: {  	s0 =	sld [smem:$0x3F97];
	_ =	swait.ge [sflag:s4], $0x0  }
0x19: {  	s7 =	sld [smem:$0x3F98]  }
0x1a: {  	s8 =	sadd.s32 $0xFFFFE003, lr  }
0x1b: {  	s9 =	sadd.s32 $0xFFFFFEF7, lr;
	s5 =	simm.s32 $0xFFFFFFFF;
	p2 =	slt.u32 s8, $0xFFFFF086  }
0x1c: {  	p1 =	slt.u32 s9, $0xF7A;
	s5 =	simm.s32 @!p2 $0x0  }
0x1d: {  	s5 =	simm.s32 @p1 $0x1;
	p0 =	seq.s32 s7, s2  }
0x1e: {  	s7 =	smul.u32 @!p0 $0xF7A, s2;
	p2 =	seq.s32 @!p0 s5, $0x0  }
0x1f: {  	s9 =	smul.u32 $0xF7A, s1;
	s8 =	simm.s32 @!p0 $0x1BF5;
	p2 =	por !p2, p0  }
0x20: {  	[sflag:s8] =	ssyncset.s32 @!p0 $0xFFFFF086;
	s6 =	sadd.s32 @!p0 s3, s7;
	s7 =	simm.s32 @!p0 $0x108  }
0x21: {  	s3 =	sadd.s32 s3, s9;
	s6 =	sadd.s32 @!p0 $0x88, s6;
	s7 =	simm.s32 @p2 $0x1082  }
0x22: {  	[simem:s7], [sflag:s8] =	dma.local @!p0 [hbm:s6], $0xF7A  }
0x23: {  	s9 =	sor.u32 $0xD0000000, s2;
	s6 =	simm.s32 $0x108;
	_ =	swait.ge @!p0 [sflag:s8], $0x0  }
0x24: {  	s3 =	sadd.s32 $0x88, s3;
	s6 =	simm.s32 @!p1 $0x1082;
	[sflag:s4] =	ssyncset.s32 $0xFFFFF086  }
0x25: {  	[simem:s6], [sflag:s4] =	dma.local [hbm:s3], $0xF7A  }
0x26: {  	[smem:$0x3F98] =	sst s1;
	(tag) =	ssettag s2;
	_ =	strace s9  }
0x27: {  	s1 =	sld [smem:$0x3FA8]  }
0x28: {  	s2 =	sld [smem:$0x3FA9]  }
0x29: {  	s4 =	sld [smem:$0x3FAB]  }
0x2a: {  	p0 =	seq.s32 s5, $0x0;
	s5 =	sld [smem:$0x3FAC]  }
0x2b: {  	s6 =	sld [smem:$0x3FAD]  }
0x2c: {  	s7 =	sld [smem:$0x3FAE]  }
0x2d: {  	s3 =	simm.s32 $0x108;
	s8 =	sld [smem:$0x3FAF]  }
0x2e: {  	s3 =	simm.s32 @!p0 $0x1082;
	s9 =	sld [smem:$0x3FB0]  }
0x2f: {  	lr =	sadd.s32 s0, s3;
	s0 =	sld [smem:$0x3FA7]  }
0x30: {  	s3 =	sld [smem:$0x3FAA]  }
0x31: {  	[smem:$0x3FB3] =	sst s10  }
0x32: {  	s10 =	sld [smem:$0x3FB1];
	_ =	sdelay $0x3  }
0x33: {  	p0 =	seq.s32 s10, $0x1;
	s10 =	sld [smem:$0x3FB3];
	_ =	sdelay $0x3  }
0x34: {  	[smem:$0x3FB3] =	sst s10  }
0x35: {  	s10 =	sld [smem:$0x3FB2];
	_ =	sdelay $0x3  }
0x36: {  	p1 =	seq.s32 s10, $0x1;
	s10 =	sld [smem:$0x3FB3];
	_ =	sdelay $0x3  }
0x37: {  	[smem:$0x3FB3] =	sst s10  }
0x38: {  	s10 =	sld [smem:$0x3FB4]  }
0x39: {  	_ = 	snop;
	(pc) =	sbr.ind lr, $3  }
0x3a: {  	_ = 	snop  }
0x3b: {  	_ = 	snop  }
0x3c: {  	p2 =	seq.s32 s10, $0x1;
	s10 =	sld [smem:$0x3FB3]  }
0x3d: {  	_ =	shalt  }
0x3e: {  	_ =	shalt  }
0x3f: {  	_ =	shalt  }
0x40: {  	_ =	shalt  }
0x41: {  	_ =	shalt  }
0x42: {  	_ =	shalt  }
0x43: {  	_ =	shalt  }
0x44: {  	_ =	shalt  }
0x45: {  	_ =	shalt  }
0x46: {  	_ =	shalt  }
0x47: {  	_ =	shalt  }
0x48: {  	_ =	shalt  }
0x49: {  	_ =	shalt  }
0x4a: {  	_ =	shalt  }
0x4b: {  	_ =	shalt  }
0x4c: {  	_ =	shalt  }
0x4d: {  	_ =	shalt  }
0x4e: {  	_ =	shalt  }
0x4f: {  	_ =	shalt  }
0x50: {  	_ =	shalt  }
0x51: {  	_ =	shalt  }
0x52: {  	_ =	shalt  }
0x53: {  	_ =	shalt  }
0x54: {  	_ =	shalt  }
0x55: {  	_ =	shalt  }
0x56: {  	_ =	shalt  }
0x57: {  	_ =	shalt  }
0x58: {  	_ =	shalt  }
0x59: {  	_ =	shalt  }
0x5a: {  	_ =	shalt  }
0x5b: {  	_ =	shalt  }
0x5c: {  	_ =	shalt  }
0x5d: {  	_ =	shalt  }
0x5e: {  	_ =	shalt  }
0x5f: {  	_ =	shalt  }
0x60: {  	_ =	shalt  }
0x61: {  	_ =	shalt  }
0x62: {  	_ =	shalt  }
0x63: {  	_ =	shalt  }
0x64: {  	_ =	shalt  }
0x65: {  	_ =	shalt  }
0x66: {  	_ =	shalt  }
0x67: {  	_ =	shalt  }
0x68: {  	_ =	shalt  }
0x69: {  	_ =	shalt  }
0x6a: {  	_ =	shalt  }
0x6b: {  	_ =	shalt  }
0x6c: {  	_ =	shalt  }
0x6d: {  	_ =	shalt  }
0x6e: {  	_ =	shalt  }
0x6f: {  	_ =	shalt  }
0x70: {  	_ =	shalt  }
0x71: {  	_ =	shalt  }
0x72: {  	_ =	shalt  }
0x73: {  	_ =	shalt  }
0x74: {  	_ =	shalt  }
0x75: {  	_ =	shalt  }
0x76: {  	_ =	shalt  }
0x77: {  	_ =	shalt  }
0x78: {  	_ =	shalt  }
0x79: {  	_ =	shalt  }
0x7a: {  	_ =	shalt  }
0x7b: {  	_ =	shalt  }
0x7c: {  	_ =	shalt  }
0x7d: {  	_ =	shalt  }
0x7e: {  	_ =	shalt  }
0x7f: {  	_ =	shalt  }
0x80: {  	_ =	shalt  }
0x81: {  	_ =	shalt  }
0x82: {  	_ =	shalt  }
0x83: {  	_ =	shalt  }
0x84: {  	_ =	shalt  }
0x85: {  	_ =	shalt  }
0x86: {  	_ =	shalt  }
0x87: {  	_ =	shalt  }
.Lfunc_end0:
.L_simem_size_0:
called_computation_lowered:
.L_overlay_start_0:
0x88: {  	s2 =	sld [smem:$0x3FD9]  }
0x89: {  	s3 =	sld [smem:$0x3FFE];
	_ =	sdelay $0x1  }
0x8a: {  	s1 =	srdreg.scid  }
0x8b: {  	s0 =	sand.u32 $0x1, s1  }
0x8c: {  	s18 =	sshll.u32 s0, $0xA;
	s2 =	sadd.s32 s3, s2  }
0x8d: {  	s2 =	sadd.s32 s2, s18  }
0x8e: {  	[smem:$0x3FBF] =	sst s2  }
0x8f: {  	_ = 	snop  }
0x90: {  	s2 =	sld [smem:$0x3FC9]  }
0x91: {  	s19 =	sld [smem:$0x3FC7]  }
0x92: {  	s4 =	sld [smem:$0x3FD0];
	(tm) =	ssettm $0x1  }
0x93: {  	s5 =	sld [smem:$0x3FFB];
	_ =	sdelay $0x3  }
0x94: {  	_ =	strace s5  }
0x95: {  	s5 =	sld [smem:$0x3FFC];
	_ =	sdelay $0x3  }
0x96: {  	_ =	strace s5  }
0x97: {  	s5 =	sld [smem:$0x3FFD];
	_ =	sdelay $0x3  }
0x98: {  	_ =	strace s5  }
0x99: {  	_ =	strace $0x8FFFFFFF  }
0x9a: {  	s20 =	sld [smem:$0x3FDB];
	_ =	sdelay $0x1  }
0x9b: {  	s6 =	simm.s32 $_scs_section_size  }
0x9c: {  	s7 =	simm.s32 $_size__tile_overlayer_lowered;
	s8 =	simm.s32 $_tile_overlayer_lowered  }
0x9d: {  	s23 =	simm.s32 $0x1BFF;
	s22 =	sshll.u32 s8, $0x1;
	s5 =	sadd.s32 s6, s20  }
0x9e: {  	s9 =	simm.s32 $0x0;
	s21 =	sshll.u32 s7, $0x1;
	s7 =	sadd.s32 s22, s5  }
0x9f: {  	[timem:s9], [sflag:s23] =	dma.local [hbm:s7], s21  }
0xa0: {  	_ =	swait.ge [sflag:s23], s21  }
0xa1: {  	s6 =	ssub.s32 $0x0, s21;
	[sflag:s23] =	ssyncset.done $0x0  }
0xa2: {  	[sflag:s23] =	ssyncadd.s32 s6;
	_ =	sdelay $0x1  }
0xa3: {  	s24 =	simm.s32 $0x1B8B  }
0xa4: {  	_ =	swait.ge [sflag:s24], $0x1  }
0xa5: {  	[sflag:s24] =	ssyncset.done $0x0  }
0xa6: {  	s25 =	simm.s32 $0x1B8E;
	[sflag:s24] =	ssyncadd.s32 $0xFFFFFFFF  }
0xa7: {  	s26 =	simm.s32 $execute0_lowered;
	[smem:$0x3FD2] =	sst s25  }
0xa8: {  	s6 =	sshll.u32 s26, $0x1;
	_ =	strace $0x80000046;
	[dreg:$0x1] =	wrdreg $0xFFFFFFFF  }
0xa9: {  	s28 =	simm.s32 $_size_execute0_lowered;
	s5 =	sadd.s32 s5, s6;
	[dreg:$0x0] =	wrdreg $0x0  }
0xaa: {  	s6 =	sshll.u32 s28, $0x1;
	[dreg:$0x2] =	wrdreg s5  }
0xab: {  	[dreg:$0x3] =	wrdreg s6  }
0xac: {  	[dreg:$0x4] =	wrdreg $0xC0  }
0xad: {  	_ =	task [dreg:s9], $0x5FFFF  }
0xae: {  	[dreg:$0x1] =	wrdreg $0xFFFFFFFF  }
0xaf: {  	[dreg:$0x0] =	wrdreg $0x60  }
0xb0: {  	[dreg:$0x2] =	wrdreg s19  }
0xb1: {  	[dreg:$0x3] =	wrdreg s2  }
0xb2: {  	[dreg:$0x4] =	wrdreg s4  }
0xb3: {  	[dreg:$0x5] =	wrdreg $0x9  }
0xb4: {  	_ =	task.clear_ibuf [dreg:s9], $0x6FFFF;
	_ =	strace $0x90000046  }
0xb5: {  	s29 =	simm.s32 $0x9;
	_ =	strace $0x80000048  }
0xb6: {  	_ =	swait.ge [sflag:s29], $0x1  }
0xb7: {  	[sflag:s29] =	ssyncadd.s32 $0xFFFFFFFF  }
0xb8: {  	_ =	strace $0x90000048  }
0xb9: {  	_ =	sfence  }
0xba: {  	s30 =	sld [smem:$0x0];
	_ =	sdelay $0x2  }
0xbb: {  	s31 =	sshll.u32 s1, $0xD;
	s1 =	sshrl.u32 s1, $0x2  }
0xbc: {  	s3 =	sand.u32 $0x4000, s31;
	s1 =	sadd.s32 s1, s30  }
0xbd: {  	s0 =	sor.u32 s3, s0;
	s1 =	sshll.u32 s1, $0x11  }
0xbe: {  	s0 =	sor.u32 s1, s0  }
0xbf: {  	s0 =	sadd.s32 $0x8F2B, s0  }
0xc0: {  	[sflag:s0] =	ssyncadd.remote.s32 $0x1  }
0xc1: {  	_ =	sfence.sel $0xFFFF  }
0xc2: {  	[dreg:$0x0] =	wrdreg $0xFFFFFFFF;
	(pc) =	sbr.abs _section_cstart, $3  }
0xc3: {  	[dreg:$0x1] =	wrdreg $0xFFFFFFFF  }
0xc4: {  	_ =	task.clear_ibuf [dreg:s9], $0x2FFFF;
	_ =	strace $0x9FFFFFFF  }
0xc5: {  	(tm) =	ssettm $0x7FFFFFFF  }
tec
execute0_lowered:
.L_overlay_start_1:
0x0: {  	(tag) =	ssettag $0x1  }
0x1: {  	s2 =	rddreg [dreg:$0x0]  }
0x2: {  	s4 =	rddreg [dreg:$0x1]  }
0x3: {  	s11 =	rddreg [dreg:$0x2];
	s1 =	stileid.u32  }
0x4: {  	s0 =	rddreg [dreg:$0x3];
	s3 =	srdreg.scid  }
0x5: {  	s7 =	simm.s32 $0x3;
	s5 =	sshll.u32 s1, $0x1;
	s12 =	sand.u32 $0x1, s3  }
0x6: {  	s13 =	sshrl.u32 s1, $0x2;
	s3 =	simm.s32 $0x0;
	s5 =	sand.u32 $0x6, s5  }
0x7: {  	s30 =	sshll.u32 s13, $0x4;
	[smem:$0x7FF] =	sst s3;
	s14 =	sor.u32 s12, s5  }
0x8: {  	s4 =	sadd.s32 s4, s30;
	_ =	strace $0x80000047;
	s6 =	sshll.u32 s14, $0x7  }
0x9: {  	s5 =	simm.s32 $0x80;
	s4 =	sadd.s32 s6, s4;
	s6 =	simm.s32 $0x200  }
0xa: {  	[tilespmem:s3], [sflag:$0x3] =	stream.strided.gather [hbm4b:s4+s5], $0x100, s6, s5, $0x38;
	[tilespmem:$0x8100] =	vst v63  }
0xb: {  	_ =	swait.ge [sflag:s7], $0x100  }
0xc: {  	[sflag:s7] =	ssyncset.done $0x0  }
0xd: {  	s8 =	simm.s32 $0x100;
	[sflag:s7] =	ssyncadd.s32 $0xFFFFFF00  }
0xe: {  	[tilespmem:s8], [sflag:$0x1] =	stream.indirect.gather [hbm4b:s2+s5], $0x80, s3, s5, $0xb8;
	[tilespmem:$0x8100] =	vst v63  }
0xf: {  	s9 =	simm.s32 $0x4100;
	s10 =	simm.s32 $0x1  }
0x10: {  	[tilespmem:s9], [sflag:$0x1] =	stream.indirect.gather [hbm4b:s2+s5], $0x80, s5, s5, $0xb8;
	[tilespmem:$0x8100] =	vst v63  }
0x11: {  	s13 =	sshll.u32 s13, $0xF;
	s14 =	sshll.u32 s14, $0xC;
	_ =	swait.ge [sflag:s10], $0x4000  }
0x12: {  	s31 =	ssub.s32 $0x2, s12;
	s13 =	sor.u32 s13, s14;
	[sflag:s10] =	ssyncset.done $0x0  }
0x13: {  	s15 =	sshrl.u32 s31, $0x1;
	s11 =	sadd.s32 s11, s13;
	[sflag:s10] =	ssyncadd.s32 $0xFFFFC000  }
0x14: {  	[hbm4b:s11+s3] =	stream.linear.scatter [tilespmem:s8], [sflag:$0x2], $0x4000, $0x38;
	[tilespmem:$0x8100] =	vst v63  }
0x15: {  	s14 =	ssub.s32 s31, s15;
	_ =	swait.ge [sflag:s10], $0x4000  }
0x16: {  	s12 =	simm.s32 $0x2;
	s14 =	smax.u32 s14, $0x1;
	[sflag:s10] =	ssyncset.done $0x0  }
0x17: {  	s13 =	sadd.s32 $0x800, s11;
	p0 =	sne.s32 s14, $0x1;
	[sflag:s10] =	ssyncadd.s32 $0xFFFFC000  }
0x18: {  	[hbm4b:s13+s3] =	stream.linear.scatter [tilespmem:s9], [sflag:$0x2], $0x4000, $0x38;
	[tilespmem:$0x8100] =	vst v63  }
.Ltmp0:
0x19: {  	_ =	swait.ge [sflag:s12], $0x4000;
	(pc) =	sbr.rel @!p0 .LBB2_2-.Ltmp0, $4  }
0x1a: {  	[sflag:s12] =	ssyncset.done $0x0  }
0x1b: {  	[sflag:s12] =	ssyncadd.s32 $0xFFFFC000  }
0x1c: {  	_ =	swait.ge [sflag:s12], $0x4000  }
0x1d: {  	s14 =	sadd.s32 $0xFFFFFFFF, s14;
	[sflag:s12] =	ssyncset.done $0x0  }
.LBB2_1:
0x1e: {  	p0 =	sne.s32 s14, $0x1;
	s14 =	sadd.s32 $0xFFFFFFFF, s14;
	[sflag:s12] =	ssyncadd.s32 $0xFFFFC000  }
0x1f: {  	[tilespmem:s3], [sflag:$0x3] =	stream.strided.gather [hbm4b:s4+s5], $0x100, s6, s5, $0x38;
	[tilespmem:$0x8100] =	vst v63  }
0x20: {  	_ =	swait.ge [sflag:s7], $0x100  }
0x21: {  	[sflag:s7] =	ssyncset.done $0x0  }
0x22: {  	[sflag:s7] =	ssyncadd.s32 $0xFFFFFF00  }
0x23: {  	[tilespmem:s8], [sflag:$0x1] =	stream.indirect.gather [hbm4b:s2+s5], $0x80, s3, s5, $0xb8;
	[tilespmem:$0x8100] =	vst v63  }
0x24: {  	_ = 	snop  }
0x25: {  	[tilespmem:s9], [sflag:$0x1] =	stream.indirect.gather [hbm4b:s2+s5], $0x80, s5, s5, $0xb8;
	[tilespmem:$0x8100] =	vst v63  }
0x26: {  	_ =	swait.ge [sflag:s10], $0x4000  }
0x27: {  	[sflag:s10] =	ssyncset.done $0x0  }
0x28: {  	[sflag:s10] =	ssyncadd.s32 $0xFFFFC000  }
0x29: {  	[hbm4b:s11+s3] =	stream.linear.scatter [tilespmem:s8], [sflag:$0x2], $0x4000, $0x38;
	[tilespmem:$0x8100] =	vst v63  }
0x2a: {  	_ =	swait.ge [sflag:s10], $0x4000  }
0x2b: {  	[sflag:s10] =	ssyncset.done $0x0  }
0x2c: {  	[sflag:s10] =	ssyncadd.s32 $0xFFFFC000  }
0x2d: {  	[hbm4b:s13+s3] =	stream.linear.scatter [tilespmem:s9], [sflag:$0x2], $0x4000, $0x38;
	[tilespmem:$0x8100] =	vst v63  }
.Ltmp1:
0x2e: {  	_ =	swait.ge [sflag:s12], $0x4000;
	(pc) =	sbr.rel @p0 .LBB2_1-.Ltmp1, $4  }
0x2f: {  	[sflag:s12] =	ssyncset.done $0x0  }
0x30: {  	[sflag:s12] =	ssyncadd.s32 $0xFFFFC000  }
0x31: {  	_ =	swait.ge [sflag:s12], $0x4000  }
0x32: {  	[sflag:s12] =	ssyncset.done $0x0  }
.LBB2_2:
0x33: {  	[sflag:s12] =	ssyncadd.s32 $0xFFFFC000  }
0x34: {  	_ =	sfence.sel $0x180000  }
0x35: {  	[bflag:$0x0] =	sbarrier.arrive $0xFFFF  }
0x36: {  	p0 =	sne.s32 s1, $0x0;
	_ =	strace $0x90000047  }
0x37: {  	s0 =	sadd.s32 @!p0 $0x100000, s0;
	[bflag:$0x2] =	sbarrier.arrive $0xFFFF  }
0x38: {  	[sflag:s0] =	ssyncadd.tile.s32 @!p0 $0x1;
	_ =	shalt  }
.Lfunc_end2:
_tile_overlayer_lowered:
.L_overlay_start_2:
0x39: {  	(tag) =	ssettag $0x2  }
0x3a: {  	s0 =	rddreg [dreg:$0x0];
	s2 =	stileid.u32  }
0x3b: {  	s1 =	rddreg [dreg:$0x1];
	p0 =	sne.s32 s2, $0x0  }
0x3c: {  	s3 =	rddreg [dreg:$0x2];
	[bflag:$0x3] =	sbarrier.arrive $0xFFFF;
	s2 =	simm.s32 @!p0 $0x1C03  }
0x3d: {  	[timem:s3], [sflag:s2] =	dma.local @!p0 [hbm:s0], s1  }
0x3e: {  	s0 =	simm.s32 @!p0 $0x3  }
0x3f: {  	_ =	swait.ge @!p0 [sflag:s0], s1  }
0x40: {  	s1 =	ssub.s32 @!p0 $0x0, s1;
	[sflag:s0] =	ssyncset.done @!p0 $0x0  }
0x41: {  	[sflag:s0] =	ssyncadd.s32 @!p0 s1  }
0x42: {  	[bflag:$0x3] =	sbarrier.arrive $0xFFFF  }
0x43: {  	_ =	shalt  }

</sc_bundles>
